<compile_context>
chip_gen: v7x
topology: tpu7x:2x2x1
jax: 0.10.2.dev20260603
libtpu: 0.0.44.dev20260713+nightly
codegen_flags: <defaults>
</compile_context>

<pallas_src>
import functools

import jax
import jax.numpy as jnp
from jax import lax
from jax.experimental import pallas as pl
from jax.experimental.pallas import tpu as pltpu
from jax.experimental.pallas import tpu_sc as plsc

_LANES = 16


def kernel(x, table):
    (B,) = x.shape
    V, D = table.shape
    info = plsc.get_sparse_core_info()
    NC, NS = info.num_cores, info.num_subcores
    NW = NC * NS
    b_per_w = B // NW
    WAVE = 8
    n_waves = b_per_w // WAVE

    tableT = table.T
    mesh = plsc.VectorSubcoreMesh(core_axis_name="c", subcore_axis_name="s")

    @functools.partial(
        pl.kernel,
        mesh=mesh,
        out_type=jax.ShapeDtypeStruct((D, B), jnp.float32),
        scratch_types=[
            pltpu.VMEM((b_per_w,), jnp.int32),
            pltpu.VMEM((2, WAVE, D, 128), jnp.float32),
            pltpu.VMEM((D, b_per_w), jnp.float32),
            pltpu.SemaphoreType.DMA((2,)),
        ],
        compiler_params=pltpu.CompilerParams(needs_layout_passes=False),
    )
    def emb(idx_hbm, tab_hbm, out_hbm, idx_v, dbuf, panel_v, sem):
        wid = lax.axis_index("s") * NC + lax.axis_index("c")
        base = wid * b_per_w
        pltpu.sync_copy(idx_hbm.at[pl.ds(base, b_per_w)], idx_v)

        def wave_idx(w, k):
            sel = plsc.load_gather(
                idx_v, [jnp.full((_LANES,), w * WAVE + k, jnp.int32)])
            return sel, sel[0]

        def fire_wave(w):
            def fire(k, _):
                _, r = wave_idx(w, k)
                p = pl.multiple_of(
                    lax.shift_right_logical(r, 7) * 128, 128)
                pltpu.async_copy(tab_hbm.at[:, pl.ds(p, 128)],
                                 dbuf.at[lax.rem(w, 2), k],
                                 sem.at[lax.rem(w, 2)])
                return 0
            lax.fori_loop(0, WAVE, fire, 0)

        def drain_wave(w):
            pltpu.make_async_copy(tab_hbm.at[:, pl.ds(0, WAVE * 128)],
                                  dbuf.at[lax.rem(w, 2)],
                                  sem.at[lax.rem(w, 2)]).wait()

        fire_wave(0)

        def step(w, _):
            @pl.when(w + 1 < n_waves)
            def _():
                fire_wave(w + 1)

            drain_wave(w)

            def extract(k, _):
                rvec, r = wave_idx(w, k)
                lane = lax.bitwise_and(rvec, 127)
                kk = jnp.full((_LANES,), k, jnp.int32)
                ww = jnp.full((_LANES,), lax.rem(w, 2), jnp.int32)
                ii = jnp.full((_LANES,), w * WAVE + k, jnp.int32)
                for c0 in range(0, D, _LANES):
                    cs = lax.iota(jnp.int32, _LANES) + c0
                    vals = plsc.load_gather(dbuf, [ww, kk, cs, lane])
                    plsc.store_scatter(panel_v, [cs, ii], vals)
                return 0

            lax.fori_loop(0, WAVE, extract, 0)
            return 0

        lax.fori_loop(0, n_waves, step, 0)
        pltpu.sync_copy(panel_v, out_hbm.at[:, pl.ds(base, b_per_w)])

    outT = emb(x.astype(jnp.int32), tableT)
    return outT.T

# --- scband reference (transcript-rebuilt; emitter-appended) ---
"""Pipeline reference for scband-embedder-19696720019605 (READ-ONLY COPY).

The authoritative reference and input builder live on the scoring server;
editing this copy changes nothing except your own understanding.
"""

import jax, jax.numpy as jnp
import numpy as np

NUM_NODES = 1000000
EMB_SIZE = 32
BATCH = 16384

def setup_inputs(seed: int = 0) -> dict:
    key = jax.random.key(seed)
    k_idx, k_tab = jax.random.split(key)
    x = jax.random.randint(k_idx, (BATCH,), 0, NUM_NODES, dtype=jnp.int64 if jax.config.jax_enable_x64 else jnp.int32)
    table = jax.random.normal(k_tab, (NUM_NODES, EMB_SIZE), dtype=jnp.float32)
    return {"x": x, "table": table}

def reference(x, table):
    # nn.Embedding forward: row gather from the embedding table
    return jnp.take(table, x, axis=0)

if __name__ == "__main__":
    import jax
    _d = setup_inputs()
    print(jax.jit(kernel)(*tuple(_d.values())))

</pallas_src>

<mosaic_0001>
#map = affine_map<(d0, d1) -> (0)>
#map1 = affine_map<(d0, d1) -> (0, 0)>
module attributes {stable_mosaic.version = 14 : i64} {
  func.func @emb(%arg0: i32, %arg1: i32, %arg2: memref<16384xi32, #tpu.memory_space<hbm>>, %arg3: memref<32x1000000xf32, #tpu.memory_space<hbm>>, %arg4: memref<32x16384xf32, #tpu.memory_space<hbm>>, %arg5: memref<512xi32, #tpu.memory_space<vmem>>, %arg6: memref<2x8x32x128xf32, #tpu.memory_space<vmem>>, %arg7: memref<32x512xf32, #tpu.memory_space<vmem>>, %arg8: memref<2x!tpu.dma_semaphore, #tpu.memory_space<semaphore_mem>>) attributes {dimension_semantics = [#tpu.dimension_semantics<core_parallel>, #tpu.dimension_semantics<subcore_parallel>], iteration_bounds = array<i64: 2, 16>, scalar_prefetch = 0 : i64, scratch_operands = 4 : i64, tpu.core_type = #tpu.core_type<sc_vector_subcore>, window_params = [{transform_indices = #map}, {transform_indices = #map1}, {transform_indices = #map1}]} {
    %mul3A = arith.constant 2 : i32
    %mul3A_0 = arith.muli %arg1, %mul3A : i32
    %add3A = arith.addi %mul3A_0, %arg0 : i32
    %mul3A_1 = arith.constant 512 : i32
    %mul3A_2 = arith.muli %add3A, %mul3A_1 : i32
    "tpu.region"() ({
      %run_scoped3A = tpu.sem_alloc : memref<!tpu.dma_semaphore, #tpu.memory_space<semaphore_mem>>
      %dma_start3A = tpu.memref_slice %arg2[%mul3A_2] : memref<16384xi32, #tpu.memory_space<hbm>> -> memref<512xi32, #tpu.memory_space<hbm>>
      %dma_start3A_16 = tpu.memref_slice %arg2[%mul3A_2] : memref<16384xi32, #tpu.memory_space<hbm>> -> memref<512xi32, #tpu.memory_space<hbm>>
      tpu.enqueue_dma source(%dma_start3A_16 : memref<512xi32, #tpu.memory_space<hbm>>) target(%arg5 : memref<512xi32, #tpu.memory_space<vmem>>) target_semaphore(%run_scoped3A : memref<!tpu.dma_semaphore, #tpu.memory_space<semaphore_mem>>)
      %dma_wait3A = tpu.memref_slice %arg2[%mul3A_2] : memref<16384xi32, #tpu.memory_space<hbm>> -> memref<512xi32, #tpu.memory_space<hbm>>
      %dma_wait3A_17 = tpu.memref_slice %arg2[%mul3A_2] : memref<16384xi32, #tpu.memory_space<hbm>> -> memref<512xi32, #tpu.memory_space<hbm>>
      tpu.wait_dma2 semaphore(%run_scoped3A : memref<!tpu.dma_semaphore, #tpu.memory_space<semaphore_mem>>) src(%dma_wait3A_17 : memref<512xi32, #tpu.memory_space<hbm>>) dst(%arg5 : memref<512xi32, #tpu.memory_space<vmem>>)
      tpu.yield
    }) : () -> ()
    %scan3A = arith.constant 0 : i32
    %scan3A_3 = arith.constant 0 : i32
    %scan3A_4 = arith.constant 8 : i32
    %scan3A_5 = arith.addi %scan3A_3, %scan3A_4 : i32
    %scan3A_6 = arith.constant 1 : i32
    %scan3A_7 = scf.for %scan3A_16 = %scan3A_3 to %scan3A_5 step %scan3A_6 iter_args(%scan3A_17 = %scan3A) -> (i32)  : i32 {
      %add3A_18 = arith.constant 0 : i32
      %add3A_19 = arith.addi %add3A_18, %scan3A_16 : i32
      %broadcast_in_dim3A = vector.broadcast %add3A_19 : i32 to vector<16xi32>
      %gather3A = tpu.vector_load_idx %arg5[%broadcast_in_dim3A] : memref<512xi32, #tpu.memory_space<vmem>>[vector<16xi32>], vector<16xi32>,
      %slice3A = vector.extract_strided_slice %gather3A {offsets = [0], sizes = [1], strides = [1]} : vector<16xi32> to vector<1xi32>
      %squeeze3A = vector.extract %slice3A[0] : i32 from vector<1xi32>
      %shift_right_logical3A = arith.constant 7 : i32
      %shift_right_logical3A_20 = arith.shrui %squeeze3A, %shift_right_logical3A : i32
      %mul3A_21 = arith.constant 128 : i32
      %mul3A_22 = arith.muli %shift_right_logical3A_20, %mul3A_21 : i32
      %multiple_of3A = tpu.assume_multiple %mul3A_22, 128 : i32
      %rem3A = arith.constant 0 : i32
      %rem3A_23 = arith.constant 2 : i32
      %rem3A_24 = arith.remsi %rem3A, %rem3A_23 : i32
      %rem3A_25 = arith.constant 0 : i32
      %rem3A_26 = arith.constant 2 : i32
      %rem3A_27 = arith.remsi %rem3A_25, %rem3A_26 : i32
      %dma_start3A = arith.constant 0 : i32
      %dma_start3A_28 = arith.constant 0 : i32
      %dma_start3A_29 = tpu.memref_slice %arg6[%rem3A_24, %scan3A_16, %dma_start3A, %dma_start3A_28] : memref<2x8x32x128xf32, #tpu.memory_space<vmem>> -> memref<1x1x32x128xf32, #tpu.memory_space<vmem>>
      %dma_start3A_30 = tpu.memref_squeeze %dma_start3A_29 : memref<1x1x32x128xf32, #tpu.memory_space<vmem>> -> memref<32x128xf32, #tpu.memory_space<vmem>>
      %dma_start3A_31 = arith.constant 0 : i32
      %dma_start3A_32 = tpu.memref_slice %arg3[%dma_start3A_31, %multiple_of3A] : memref<32x1000000xf32, #tpu.memory_space<hbm>> -> memref<32x128xf32, #tpu.memory_space<hbm>>
      %dma_start3A_33 = tpu.memref_slice %arg8[%rem3A_27] : memref<2x!tpu.dma_semaphore, #tpu.memory_space<semaphore_mem>> -> memref<1x!tpu.dma_semaphore, #tpu.memory_space<semaphore_mem>>
      %dma_start3A_34 = tpu.memref_squeeze %dma_start3A_33 : memref<1x!tpu.dma_semaphore, #tpu.memory_space<semaphore_mem>> -> memref<!tpu.dma_semaphore, #tpu.memory_space<semaphore_mem>>
      %dma_start3A_35 = arith.constant 0 : i32
      %dma_start3A_36 = arith.constant 0 : i32
      %dma_start3A_37 = tpu.memref_slice %arg6[%rem3A_24, %scan3A_16, %dma_start3A_35, %dma_start3A_36] : memref<2x8x32x128xf32, #tpu.memory_space<vmem>> -> memref<1x1x32x128xf32, #tpu.memory_space<vmem>>
      %dma_start3A_38 = tpu.memref_squeeze %dma_start3A_37 : memref<1x1x32x128xf32, #tpu.memory_space<vmem>> -> memref<32x128xf32, #tpu.memory_space<vmem>>
      %dma_start3A_39 = arith.constant 0 : i32
      %dma_start3A_40 = tpu.memref_slice %arg3[%dma_start3A_39, %multiple_of3A] : memref<32x1000000xf32, #tpu.memory_space<hbm>> -> memref<32x128xf32, #tpu.memory_space<hbm>>
      tpu.enqueue_dma source(%dma_start3A_40 : memref<32x128xf32, #tpu.memory_space<hbm>>) target(%dma_start3A_38 : memref<32x128xf32, #tpu.memory_space<vmem>>) target_semaphore(%dma_start3A_34 : memref<!tpu.dma_semaphore, #tpu.memory_space<semaphore_mem>>)
      %scan3A_41 = arith.constant 0 : i32
      scf.yield %scan3A_41 : i32
    }
    %scan3A_8 = arith.constant 8 : i32
    %scan3A_9 = arith.constant 0 : i32
    %scan3A_10 = arith.constant 0 : i32
    %scan3A_11 = arith.constant 64 : i32
    %scan3A_12 = arith.addi %scan3A_10, %scan3A_11 : i32
    %scan3A_13 = arith.constant 1 : i32
    %scan3A_14 = scf.for %scan3A_16 = %scan3A_10 to %scan3A_12 step %scan3A_13 iter_args(%scan3A_17 = %scan3A_9) -> (i32)  : i32 {
      %add3A_18 = arith.constant 1 : i32
      %add3A_19 = arith.addi %scan3A_16, %add3A_18 : i32
      %lt3A = arith.constant 64 : i32
      %lt3A_20 = arith.cmpi slt, %add3A_19, %lt3A : i32
      %convert_element_type3A = arith.extui %lt3A_20 : i1 to i32
      %cond3A = arith.constant 0 : i32
      %cond3A_21 = arith.cmpi ne, %convert_element_type3A, %cond3A : i32
      scf.if %cond3A_21 {
        %add3A_50 = arith.constant 1 : i32
        %add3A_51 = arith.addi %scan3A_16, %add3A_50 : i32
        %scan3A_52 = arith.constant 0 : i32
        %scan3A_53 = arith.constant 0 : i32
        %scan3A_54 = arith.constant 8 : i32
        %scan3A_55 = arith.addi %scan3A_53, %scan3A_54 : i32
        %scan3A_56 = arith.constant 1 : i32
        %scan3A_57 = scf.for %scan3A_59 = %scan3A_53 to %scan3A_55 step %scan3A_56 iter_args(%scan3A_60 = %scan3A_52) -> (i32)  : i32 {
          %mul3A_61 = arith.constant 8 : i32
          %mul3A_62 = arith.muli %add3A_51, %mul3A_61 : i32
          %add3A_63 = arith.addi %mul3A_62, %scan3A_59 : i32
          %broadcast_in_dim3A = vector.broadcast %add3A_63 : i32 to vector<16xi32>
          %gather3A = tpu.vector_load_idx %arg5[%broadcast_in_dim3A] : memref<512xi32, #tpu.memory_space<vmem>>[vector<16xi32>], vector<16xi32>,
          %slice3A = vector.extract_strided_slice %gather3A {offsets = [0], sizes = [1], strides = [1]} : vector<16xi32> to vector<1xi32>
          %squeeze3A = vector.extract %slice3A[0] : i32 from vector<1xi32>
          %shift_right_logical3A = arith.constant 7 : i32
          %shift_right_logical3A_64 = arith.shrui %squeeze3A, %shift_right_logical3A : i32
          %mul3A_65 = arith.constant 128 : i32
          %mul3A_66 = arith.muli %shift_right_logical3A_64, %mul3A_65 : i32
          %multiple_of3A = tpu.assume_multiple %mul3A_66, 128 : i32
          %rem3A_67 = arith.constant 2 : i32
          %rem3A_68 = arith.remsi %add3A_51, %rem3A_67 : i32
          %rem3A_69 = arith.constant 2 : i32
          %rem3A_70 = arith.remsi %add3A_51, %rem3A_69 : i32
          %dma_start3A = arith.constant 0 : i32
          %dma_start3A_71 = arith.constant 0 : i32
          %dma_start3A_72 = tpu.memref_slice %arg6[%rem3A_68, %scan3A_59, %dma_start3A, %dma_start3A_71] : memref<2x8x32x128xf32, #tpu.memory_space<vmem>> -> memref<1x1x32x128xf32, #tpu.memory_space<vmem>>
          %dma_start3A_73 = tpu.memref_squeeze %dma_start3A_72 : memref<1x1x32x128xf32, #tpu.memory_space<vmem>> -> memref<32x128xf32, #tpu.memory_space<vmem>>
          %dma_start3A_74 = arith.constant 0 : i32
          %dma_start3A_75 = tpu.memref_slice %arg3[%dma_start3A_74, %multiple_of3A] : memref<32x1000000xf32, #tpu.memory_space<hbm>> -> memref<32x128xf32, #tpu.memory_space<hbm>>
          %dma_start3A_76 = tpu.memref_slice %arg8[%rem3A_70] : memref<2x!tpu.dma_semaphore, #tpu.memory_space<semaphore_mem>> -> memref<1x!tpu.dma_semaphore, #tpu.memory_space<semaphore_mem>>
          %dma_start3A_77 = tpu.memref_squeeze %dma_start3A_76 : memref<1x!tpu.dma_semaphore, #tpu.memory_space<semaphore_mem>> -> memref<!tpu.dma_semaphore, #tpu.memory_space<semaphore_mem>>
          %dma_start3A_78 = arith.constant 0 : i32
          %dma_start3A_79 = arith.constant 0 : i32
          %dma_start3A_80 = tpu.memref_slice %arg6[%rem3A_68, %scan3A_59, %dma_start3A_78, %dma_start3A_79] : memref<2x8x32x128xf32, #tpu.memory_space<vmem>> -> memref<1x1x32x128xf32, #tpu.memory_space<vmem>>
          %dma_start3A_81 = tpu.memref_squeeze %dma_start3A_80 : memref<1x1x32x128xf32, #tpu.memory_space<vmem>> -> memref<32x128xf32, #tpu.memory_space<vmem>>
          %dma_start3A_82 = arith.constant 0 : i32
          %dma_start3A_83 = tpu.memref_slice %arg3[%dma_start3A_82, %multiple_of3A] : memref<32x1000000xf32, #tpu.memory_space<hbm>> -> memref<32x128xf32, #tpu.memory_space<hbm>>
          tpu.enqueue_dma source(%dma_start3A_83 : memref<32x128xf32, #tpu.memory_space<hbm>>) target(%dma_start3A_81 : memref<32x128xf32, #tpu.memory_space<vmem>>) target_semaphore(%dma_start3A_77 : memref<!tpu.dma_semaphore, #tpu.memory_space<semaphore_mem>>)
          %scan3A_84 = arith.constant 0 : i32
          scf.yield %scan3A_84 : i32
        }
        %scan3A_58 = arith.constant 8 : i32
      } else {
      }
      %rem3A = arith.constant 2 : i32
      %rem3A_22 = arith.remsi %scan3A_16, %rem3A : i32
      %rem3A_23 = arith.constant 2 : i32
      %rem3A_24 = arith.remsi %scan3A_16, %rem3A_23 : i32
      %dma_wait3A = arith.constant 0 : i32
      %dma_wait3A_25 = arith.constant 0 : i32
      %dma_wait3A_26 = arith.constant 0 : i32
      %dma_wait3A_27 = tpu.memref_slice %arg6[%rem3A_22, %dma_wait3A, %dma_wait3A_25, %dma_wait3A_26] : memref<2x8x32x128xf32, #tpu.memory_space<vmem>> -> memref<1x8x32x128xf32, #tpu.memory_space<vmem>>
      %dma_wait3A_28 = tpu.memref_squeeze %dma_wait3A_27 : memref<1x8x32x128xf32, #tpu.memory_space<vmem>> -> memref<8x32x128xf32, #tpu.memory_space<vmem>>
      %dma_wait3A_29 = arith.constant 0 : i32
      %dma_wait3A_30 = arith.constant 0 : i32
      %dma_wait3A_31 = tpu.memref_slice %arg3[%dma_wait3A_29, %dma_wait3A_30] : memref<32x1000000xf32, #tpu.memory_space<hbm>> -> memref<32x1024xf32, #tpu.memory_space<hbm>>
      %dma_wait3A_32 = tpu.memref_slice %arg8[%rem3A_24] : memref<2x!tpu.dma_semaphore, #tpu.memory_space<semaphore_mem>> -> memref<1x!tpu.dma_semaphore, #tpu.memory_space<semaphore_mem>>
      %dma_wait3A_33 = tpu.memref_squeeze %dma_wait3A_32 : memref<1x!tpu.dma_semaphore, #tpu.memory_space<semaphore_mem>> -> memref<!tpu.dma_semaphore, #tpu.memory_space<semaphore_mem>>
      %dma_wait3A_34 = arith.constant 0 : i32
      %dma_wait3A_35 = arith.constant 0 : i32
      %dma_wait3A_36 = arith.constant 0 : i32
      %dma_wait3A_37 = tpu.memref_slice %arg6[%rem3A_22, %dma_wait3A_34, %dma_wait3A_35, %dma_wait3A_36] : memref<2x8x32x128xf32, #tpu.memory_space<vmem>> -> memref<1x8x32x128xf32, #tpu.memory_space<vmem>>
      %dma_wait3A_38 = tpu.memref_squeeze %dma_wait3A_37 : memref<1x8x32x128xf32, #tpu.memory_space<vmem>> -> memref<8x32x128xf32, #tpu.memory_space<vmem>>
      %dma_wait3A_39 = arith.constant 0 : i32
      %dma_wait3A_40 = arith.constant 0 : i32
      %dma_wait3A_41 = tpu.memref_slice %arg3[%dma_wait3A_39, %dma_wait3A_40] : memref<32x1000000xf32, #tpu.memory_space<hbm>> -> memref<32x1024xf32, #tpu.memory_space<hbm>>
      tpu.wait_dma2 semaphore(%dma_wait3A_33 : memref<!tpu.dma_semaphore, #tpu.memory_space<semaphore_mem>>) src(%dma_wait3A_41 : memref<32x1024xf32, #tpu.memory_space<hbm>>) dst(%dma_wait3A_38 : memref<8x32x128xf32, #tpu.memory_space<vmem>>)
      %scan3A_42 = arith.constant 0 : i32
      %scan3A_43 = arith.constant 0 : i32
      %scan3A_44 = arith.constant 8 : i32
      %scan3A_45 = arith.addi %scan3A_43, %scan3A_44 : i32
      %scan3A_46 = arith.constant 1 : i32
      %scan3A_47 = scf.for %scan3A_50 = %scan3A_43 to %scan3A_45 step %scan3A_46 iter_args(%scan3A_51 = %scan3A_42) -> (i32)  : i32 {
        %mul3A_52 = arith.constant 8 : i32
        %mul3A_53 = arith.muli %scan3A_16, %mul3A_52 : i32
        %add3A_54 = arith.addi %mul3A_53, %scan3A_50 : i32
        %broadcast_in_dim3A = vector.broadcast %add3A_54 : i32 to vector<16xi32>
        %gather3A = tpu.vector_load_idx %arg5[%broadcast_in_dim3A] : memref<512xi32, #tpu.memory_space<vmem>>[vector<16xi32>], vector<16xi32>,
        %slice3A = vector.extract_strided_slice %gather3A {offsets = [0], sizes = [1], strides = [1]} : vector<16xi32> to vector<1xi32>
        %squeeze3A = vector.extract %slice3A[0] : i32 from vector<1xi32>
        %and3A = arith.constant 127 : i32
        %and3A_55 = vector.broadcast %and3A : i32 to vector<16xi32>
        %and3A_56 = arith.andi %gather3A, %and3A_55 : vector<16xi32>
        %broadcast_in_dim3A_57 = vector.broadcast %scan3A_50 : i32 to vector<16xi32>
        %rem3A_58 = arith.constant 2 : i32
        %rem3A_59 = arith.remsi %scan3A_16, %rem3A_58 : i32
        %broadcast_in_dim3A_60 = vector.broadcast %rem3A_59 : i32 to vector<16xi32>
        %mul3A_61 = arith.constant 8 : i32
        %mul3A_62 = arith.muli %scan3A_16, %mul3A_61 : i32
        %add3A_63 = arith.addi %mul3A_62, %scan3A_50 : i32
        %broadcast_in_dim3A_64 = vector.broadcast %add3A_63 : i32 to vector<16xi32>
        %iota3A = tpu.iota {dimensions = array<i32: 0>} : vector<16xi32>
        %add3A_65 = arith.constant 0 : i32
        %add3A_66 = vector.broadcast %add3A_65 : i32 to vector<16xi32>
        %add3A_67 = arith.addi %iota3A, %add3A_66 : vector<16xi32>
        %gather3A_68 = tpu.vector_load_idx %arg6[%broadcast_in_dim3A_60, %broadcast_in_dim3A_57, %add3A_67, %and3A_56] : memref<2x8x32x128xf32, #tpu.memory_space<vmem>>[vector<16xi32>, vector<16xi32>, vector<16xi32>, vector<16xi32>], vector<16xf32>,
        tpu.vector_store_idx %arg7[%add3A_67, %broadcast_in_dim3A_64], %gather3A_68 : memref<32x512xf32, #tpu.memory_space<vmem>>[vector<16xi32>, vector<16xi32>], vector<16xf32>,
        %iota3A_69 = tpu.iota {dimensions = array<i32: 0>} : vector<16xi32>
        %add3A_70 = arith.constant 16 : i32
        %add3A_71 = vector.broadcast %add3A_70 : i32 to vector<16xi32>
        %add3A_72 = arith.addi %iota3A_69, %add3A_71 : vector<16xi32>
        %gather3A_73 = tpu.vector_load_idx %arg6[%broadcast_in_dim3A_60, %broadcast_in_dim3A_57, %add3A_72, %and3A_56] : memref<2x8x32x128xf32, #tpu.memory_space<vmem>>[vector<16xi32>, vector<16xi32>, vector<16xi32>, vector<16xi32>], vector<16xf32>,
        tpu.vector_store_idx %arg7[%add3A_72, %broadcast_in_dim3A_64], %gather3A_73 : memref<32x512xf32, #tpu.memory_space<vmem>>[vector<16xi32>, vector<16xi32>], vector<16xf32>,
        %scan3A_74 = arith.constant 0 : i32
        scf.yield %scan3A_74 : i32
      }
      %scan3A_48 = arith.constant 8 : i32
      %scan3A_49 = arith.constant 0 : i32
      scf.yield %scan3A_49 : i32
    }
    %scan3A_15 = arith.constant 64 : i32
    "tpu.region"() ({
      %run_scoped3A = tpu.sem_alloc : memref<!tpu.dma_semaphore, #tpu.memory_space<semaphore_mem>>
      %dma_start3A = arith.constant 0 : i32
      %dma_start3A_16 = tpu.memref_slice %arg4[%dma_start3A, %mul3A_2] : memref<32x16384xf32, #tpu.memory_space<hbm>> -> memref<32x512xf32, #tpu.memory_space<hbm>>
      %dma_start3A_17 = arith.constant 0 : i32
      %dma_start3A_18 = tpu.memref_slice %arg4[%dma_start3A_17, %mul3A_2] : memref<32x16384xf32, #tpu.memory_space<hbm>> -> memref<32x512xf32, #tpu.memory_space<hbm>>
      tpu.enqueue_dma source(%arg7 : memref<32x512xf32, #tpu.memory_space<vmem>>) target(%dma_start3A_18 : memref<32x512xf32, #tpu.memory_space<hbm>>) target_semaphore(%run_scoped3A : memref<!tpu.dma_semaphore, #tpu.memory_space<semaphore_mem>>)
      %dma_wait3A = arith.constant 0 : i32
      %dma_wait3A_19 = tpu.memref_slice %arg4[%dma_wait3A, %mul3A_2] : memref<32x16384xf32, #tpu.memory_space<hbm>> -> memref<32x512xf32, #tpu.memory_space<hbm>>
      %dma_wait3A_20 = arith.constant 0 : i32
      %dma_wait3A_21 = tpu.memref_slice %arg4[%dma_wait3A_20, %mul3A_2] : memref<32x16384xf32, #tpu.memory_space<hbm>> -> memref<32x512xf32, #tpu.memory_space<hbm>>
      tpu.wait_dma2 semaphore(%run_scoped3A : memref<!tpu.dma_semaphore, #tpu.memory_space<semaphore_mem>>) src(%arg7 : memref<32x512xf32, #tpu.memory_space<vmem>>) dst(%dma_wait3A_21 : memref<32x512xf32, #tpu.memory_space<hbm>>)
      tpu.yield
    }) : () -> ()
    return
  }
}

</mosaic_0001>

<sc_bundles>
// kernel: kernel.3.cloned.1.call-start
scs
__scs_entry_jumppad:
0x0: {  	(pc) =	sbr.rel $0x88, $3  }
0x1: {  	(tag) =	ssettag $0x0;
	lr =	simm.s32 $0x1  }
0x2: {  	[smem:$0x3F9F] =	sst lr;
	_ =	strace $0xD0000000  }
0x3: {  	_ = 	snop  }
0x4: {  	_ = 	snop  }
0x5: {  	_ = 	snop  }
0x6: {  	_ = 	snop  }
0x7: {  	_ = 	snop  }
__scs_overlays_trampoline_lowered:
0x8: {  	[smem:$0x3FAE] =	sst s0  }
0x9: {  	[smem:$0x3FAF] =	sst s1  }
0xa: {  	[smem:$0x3FB0] =	sst s2  }
0xb: {  	[smem:$0x3FB1] =	sst s3  }
0xc: {  	[smem:$0x3FB2] =	sst s4  }
0xd: {  	[smem:$0x3FB3] =	sst s5  }
0xe: {  	[smem:$0x3FB4] =	sst s6  }
0xf: {  	[smem:$0x3FB5] =	sst s7  }
0x10: {  	[smem:$0x3FB6] =	sst s8  }
0x11: {  	[smem:$0x3FB7] =	sst s9;
	s0 =	simm.s32 @!p0 $0x0  }
0x12: {  	s1 =	sld [smem:$0x3F9D];
	s0 =	simm.s32 @p0 $0x1  }
0x13: {  	[smem:$0x3FB8] =	sst s0;
	s0 =	simm.s32 @!p1 $0x0  }
0x14: {  	s2 =	sld [smem:$0x3F9C];
	s0 =	simm.s32 @p1 $0x1  }
0x15: {  	[smem:$0x3FB9] =	sst s0;
	s0 =	simm.s32 @!p2 $0x0  }
0x16: {  	s3 =	sld [smem:$0x3FDB];
	s0 =	simm.s32 @p2 $0x1  }
0x17: {  	s4 =	simm.s32 $0x1BF5;
	[smem:$0x3FBB] =	sst s0  }
0x18: {  	s0 =	sld [smem:$0x3F9E];
	_ =	swait.ge [sflag:s4], $0x0  }
0x19: {  	s7 =	sld [smem:$0x3F9F]  }
0x1a: {  	s8 =	sadd.s32 $0xFFFFE003, lr  }
0x1b: {  	s9 =	sadd.s32 $0xFFFFFEF7, lr;
	s5 =	simm.s32 $0xFFFFFFFF;
	p2 =	slt.u32 s8, $0xFFFFF086  }
0x1c: {  	p1 =	slt.u32 s9, $0xF7A;
	s5 =	simm.s32 @!p2 $0x0  }
0x1d: {  	s5 =	simm.s32 @p1 $0x1;
	p0 =	seq.s32 s7, s2  }
0x1e: {  	s7 =	smul.u32 @!p0 $0xF7A, s2;
	p2 =	seq.s32 @!p0 s5, $0x0  }
0x1f: {  	s9 =	smul.u32 $0xF7A, s1;
	s8 =	simm.s32 @!p0 $0x1BF5;
	p2 =	por !p2, p0  }
0x20: {  	[sflag:s8] =	ssyncset.s32 @!p0 $0xFFFFF086;
	s6 =	sadd.s32 @!p0 s3, s7;
	s7 =	simm.s32 @!p0 $0x108  }
0x21: {  	s3 =	sadd.s32 s3, s9;
	s6 =	sadd.s32 @!p0 $0x88, s6;
	s7 =	simm.s32 @p2 $0x1082  }
0x22: {  	[simem:s7], [sflag:s8] =	dma.local @!p0 [hbm:s6], $0xF7A  }
0x23: {  	s9 =	sor.u32 $0xD0000000, s2;
	s6 =	simm.s32 $0x108;
	_ =	swait.ge @!p0 [sflag:s8], $0x0  }
0x24: {  	s3 =	sadd.s32 $0x88, s3;
	s6 =	simm.s32 @!p1 $0x1082;
	[sflag:s4] =	ssyncset.s32 $0xFFFFF086  }
0x25: {  	[simem:s6], [sflag:s4] =	dma.local [hbm:s3], $0xF7A  }
0x26: {  	[smem:$0x3F9F] =	sst s1;
	(tag) =	ssettag s2;
	_ =	strace s9  }
0x27: {  	s1 =	sld [smem:$0x3FAF]  }
0x28: {  	s2 =	sld [smem:$0x3FB0]  }
0x29: {  	s4 =	sld [smem:$0x3FB2]  }
0x2a: {  	p0 =	seq.s32 s5, $0x0;
	s5 =	sld [smem:$0x3FB3]  }
0x2b: {  	s6 =	sld [smem:$0x3FB4]  }
0x2c: {  	s7 =	sld [smem:$0x3FB5]  }
0x2d: {  	s3 =	simm.s32 $0x108;
	s8 =	sld [smem:$0x3FB6]  }
0x2e: {  	s3 =	simm.s32 @!p0 $0x1082;
	s9 =	sld [smem:$0x3FB7]  }
0x2f: {  	lr =	sadd.s32 s0, s3;
	s0 =	sld [smem:$0x3FAE]  }
0x30: {  	s3 =	sld [smem:$0x3FB1]  }
0x31: {  	[smem:$0x3FBA] =	sst s10  }
0x32: {  	s10 =	sld [smem:$0x3FB8];
	_ =	sdelay $0x3  }
0x33: {  	p0 =	seq.s32 s10, $0x1;
	s10 =	sld [smem:$0x3FBA];
	_ =	sdelay $0x3  }
0x34: {  	[smem:$0x3FBA] =	sst s10  }
0x35: {  	s10 =	sld [smem:$0x3FB9];
	_ =	sdelay $0x3  }
0x36: {  	p1 =	seq.s32 s10, $0x1;
	s10 =	sld [smem:$0x3FBA];
	_ =	sdelay $0x3  }
0x37: {  	[smem:$0x3FBA] =	sst s10  }
0x38: {  	s10 =	sld [smem:$0x3FBB]  }
0x39: {  	_ = 	snop;
	(pc) =	sbr.ind lr, $3  }
0x3a: {  	_ = 	snop  }
0x3b: {  	_ = 	snop  }
0x3c: {  	p2 =	seq.s32 s10, $0x1;
	s10 =	sld [smem:$0x3FBA]  }
0x3d: {  	_ =	shalt  }
0x3e: {  	_ =	shalt  }
0x3f: {  	_ =	shalt  }
0x40: {  	_ =	shalt  }
0x41: {  	_ =	shalt  }
0x42: {  	_ =	shalt  }
0x43: {  	_ =	shalt  }
0x44: {  	_ =	shalt  }
0x45: {  	_ =	shalt  }
0x46: {  	_ =	shalt  }
0x47: {  	_ =	shalt  }
0x48: {  	_ =	shalt  }
0x49: {  	_ =	shalt  }
0x4a: {  	_ =	shalt  }
0x4b: {  	_ =	shalt  }
0x4c: {  	_ =	shalt  }
0x4d: {  	_ =	shalt  }
0x4e: {  	_ =	shalt  }
0x4f: {  	_ =	shalt  }
0x50: {  	_ =	shalt  }
0x51: {  	_ =	shalt  }
0x52: {  	_ =	shalt  }
0x53: {  	_ =	shalt  }
0x54: {  	_ =	shalt  }
0x55: {  	_ =	shalt  }
0x56: {  	_ =	shalt  }
0x57: {  	_ =	shalt  }
0x58: {  	_ =	shalt  }
0x59: {  	_ =	shalt  }
0x5a: {  	_ =	shalt  }
0x5b: {  	_ =	shalt  }
0x5c: {  	_ =	shalt  }
0x5d: {  	_ =	shalt  }
0x5e: {  	_ =	shalt  }
0x5f: {  	_ =	shalt  }
0x60: {  	_ =	shalt  }
0x61: {  	_ =	shalt  }
0x62: {  	_ =	shalt  }
0x63: {  	_ =	shalt  }
0x64: {  	_ =	shalt  }
0x65: {  	_ =	shalt  }
0x66: {  	_ =	shalt  }
0x67: {  	_ =	shalt  }
0x68: {  	_ =	shalt  }
0x69: {  	_ =	shalt  }
0x6a: {  	_ =	shalt  }
0x6b: {  	_ =	shalt  }
0x6c: {  	_ =	shalt  }
0x6d: {  	_ =	shalt  }
0x6e: {  	_ =	shalt  }
0x6f: {  	_ =	shalt  }
0x70: {  	_ =	shalt  }
0x71: {  	_ =	shalt  }
0x72: {  	_ =	shalt  }
0x73: {  	_ =	shalt  }
0x74: {  	_ =	shalt  }
0x75: {  	_ =	shalt  }
0x76: {  	_ =	shalt  }
0x77: {  	_ =	shalt  }
0x78: {  	_ =	shalt  }
0x79: {  	_ =	shalt  }
0x7a: {  	_ =	shalt  }
0x7b: {  	_ =	shalt  }
0x7c: {  	_ =	shalt  }
0x7d: {  	_ =	shalt  }
0x7e: {  	_ =	shalt  }
0x7f: {  	_ =	shalt  }
0x80: {  	_ =	shalt  }
0x81: {  	_ =	shalt  }
0x82: {  	_ =	shalt  }
0x83: {  	_ =	shalt  }
0x84: {  	_ =	shalt  }
0x85: {  	_ =	shalt  }
0x86: {  	_ =	shalt  }
0x87: {  	_ =	shalt  }
.Lfunc_end0:
.L_simem_size_0:
called_computation_lowered:
.L_overlay_start_0:
0x88: {  	s2 =	sld [smem:$0x3FD9]  }
0x89: {  	s3 =	sld [smem:$0x3FFE];
	_ =	sdelay $0x1  }
0x8a: {  	s1 =	srdreg.scid  }
0x8b: {  	s0 =	sand.u32 $0x1, s1  }
0x8c: {  	s18 =	sshll.u32 s0, $0xA;
	s2 =	sadd.s32 s3, s2  }
0x8d: {  	s2 =	sadd.s32 s2, s18  }
0x8e: {  	[smem:$0x3FC6] =	sst s2  }
0x8f: {  	_ = 	snop  }
0x90: {  	s2 =	sld [smem:$0x3FC9]  }
0x91: {  	s19 =	sld [smem:$0x3FC8]  }
0x92: {  	s4 =	sld [smem:$0x3FD0];
	(tm) =	ssettm $0x1  }
0x93: {  	s5 =	sld [smem:$0x3FFB];
	_ =	sdelay $0x3  }
0x94: {  	_ =	strace s5  }
0x95: {  	s5 =	sld [smem:$0x3FFC];
	_ =	sdelay $0x3  }
0x96: {  	_ =	strace s5  }
0x97: {  	s5 =	sld [smem:$0x3FFD];
	_ =	sdelay $0x3  }
0x98: {  	_ =	strace s5  }
0x99: {  	_ =	strace $0x8FFFFFFF  }
0x9a: {  	s20 =	sld [smem:$0x3FDB];
	_ =	sdelay $0x1  }
0x9b: {  	s6 =	simm.s32 $_scs_section_size  }
0x9c: {  	s7 =	simm.s32 $_size__tile_overlayer_lowered;
	s8 =	simm.s32 $_tile_overlayer_lowered  }
0x9d: {  	s23 =	simm.s32 $0x1BFF;
	s22 =	sshll.u32 s8, $0x1;
	s5 =	sadd.s32 s6, s20  }
0x9e: {  	s9 =	simm.s32 $0x0;
	s21 =	sshll.u32 s7, $0x1;
	s7 =	sadd.s32 s22, s5  }
0x9f: {  	[timem:s9], [sflag:s23] =	dma.local [hbm:s7], s21  }
0xa0: {  	_ =	swait.ge [sflag:s23], s21  }
0xa1: {  	s6 =	ssub.s32 $0x0, s21;
	[sflag:s23] =	ssyncset.done $0x0  }
0xa2: {  	[sflag:s23] =	ssyncadd.s32 s6;
	_ =	sdelay $0x1  }
0xa3: {  	s24 =	simm.s32 $0x1B8B  }
0xa4: {  	_ =	swait.ge [sflag:s24], $0x1  }
0xa5: {  	[sflag:s24] =	ssyncset.done $0x0  }
0xa6: {  	s25 =	simm.s32 $0x1B8E;
	[sflag:s24] =	ssyncadd.s32 $0xFFFFFFFF  }
0xa7: {  	s26 =	simm.s32 $execute0_lowered;
	[smem:$0x3FD2] =	sst s25  }
0xa8: {  	s6 =	sshll.u32 s26, $0x1;
	_ =	strace $0x80000046;
	[dreg:$0x1] =	wrdreg $0xFFFFFFFF  }
0xa9: {  	s28 =	simm.s32 $_size_execute0_lowered;
	s5 =	sadd.s32 s5, s6;
	[dreg:$0x0] =	wrdreg $0x0  }
0xaa: {  	s6 =	sshll.u32 s28, $0x1;
	[dreg:$0x2] =	wrdreg s5  }
0xab: {  	[dreg:$0x3] =	wrdreg s6  }
0xac: {  	[dreg:$0x4] =	wrdreg $0xC0  }
0xad: {  	_ =	task [dreg:s9], $0x5FFFF  }
0xae: {  	[dreg:$0x1] =	wrdreg $0xFFFFFFFF  }
0xaf: {  	[dreg:$0x0] =	wrdreg $0x60  }
0xb0: {  	[dreg:$0x2] =	wrdreg s2  }
0xb1: {  	[dreg:$0x3] =	wrdreg s19  }
0xb2: {  	[dreg:$0x4] =	wrdreg s4  }
0xb3: {  	[dreg:$0x5] =	wrdreg $0x9  }
0xb4: {  	_ =	task.clear_ibuf [dreg:s9], $0x6FFFF;
	_ =	strace $0x90000046  }
0xb5: {  	s29 =	simm.s32 $0x9;
	_ =	strace $0x80000048  }
0xb6: {  	_ =	swait.ge [sflag:s29], $0x1  }
0xb7: {  	[sflag:s29] =	ssyncadd.s32 $0xFFFFFFFF  }
0xb8: {  	_ =	strace $0x90000048  }
0xb9: {  	_ =	sfence  }
0xba: {  	s30 =	sld [smem:$0x0];
	_ =	sdelay $0x2  }
0xbb: {  	s31 =	sshll.u32 s1, $0xD;
	s1 =	sshrl.u32 s1, $0x2  }
0xbc: {  	s3 =	sand.u32 $0x4000, s31;
	s1 =	sadd.s32 s1, s30  }
0xbd: {  	s0 =	sor.u32 s3, s0;
	s1 =	sshll.u32 s1, $0x11  }
0xbe: {  	s0 =	sor.u32 s1, s0  }
0xbf: {  	s0 =	sadd.s32 $0x8F2B, s0  }
0xc0: {  	[sflag:s0] =	ssyncadd.remote.s32 $0x1  }
0xc1: {  	_ =	sfence.sel $0xFFFF  }
0xc2: {  	[dreg:$0x0] =	wrdreg $0xFFFFFFFF;
	(pc) =	sbr.abs _section_cstart, $3  }
0xc3: {  	[dreg:$0x1] =	wrdreg $0xFFFFFFFF  }
0xc4: {  	_ =	task.clear_ibuf [dreg:s9], $0x2FFFF;
	_ =	strace $0x9FFFFFFF  }
0xc5: {  	(tm) =	ssettm $0x7FFFFFFF  }
tec
execute0_lowered:
.L_overlay_start_1:
0x0: {  	(tag) =	ssettag $0x1  }
0x1: {  	v0 =	vlaneseq.u32;
	v1 =	vimm.s32 $0x1380  }
0x2: {  	vm0 =	vcmask $0x300;
	v2 =	vimm.s32 $0x3380;
	vm1 =	vcmask $0x704  }
0x3: {  	vm15 =	vcmask $0xB08;
	v1 =	vsel vm0, $0x0, v1;
	v2 =	vsel vm0, $0x2000, v2  }
0x4: {  	vm4 =	vcmask $0xF0C;
	v1 =	vsel vm1, $0x80, v1;
	v2 =	vsel vm1, $0x2080, v2  }
0x5: {  	vm5 =	vcmask $0x1310;
	v1 =	vsel vm15, $0x100, v1;
	v2 =	vsel vm15, $0x2100, v2  }
0x6: {  	vm6 =	vcmask $0x1714;
	v1 =	vsel vm4, $0x180, v1;
	v2 =	vsel vm4, $0x2180, v2  }
0x7: {  	s4 =	rddreg [dreg:$0x0];
	vm7 =	vcmask $0x1B18;
	v1 =	vsel vm5, $0x200, v1;
	v2 =	vsel vm5, $0x2200, v2  }
0x8: {  	s0 =	rddreg [dreg:$0x1];
	vm8 =	vcmask $0x1F1C;
	v1 =	vsel vm6, $0x280, v1;
	v2 =	vsel vm6, $0x2280, v2  }
0x9: {  	s5 =	rddreg [dreg:$0x2];
	s3 =	srdreg.scid;
	vm9 =	vcmask $0x2320;
	v1 =	vsel vm7, $0x300, v1;
	v2 =	vsel vm7, $0x2300, v2  }
0xa: {  	s1 =	rddreg [dreg:$0x3];
	s2 =	stileid.u32;
	vm10 =	vcmask $0x2724;
	s10 =	simm.s32 $0x200;
	v1 =	vsel vm8, $0x380, v1;
	v2 =	vsel vm8, $0x2380, v2  }
0xb: {  	vm11 =	vcmask $0x2B28;
	s11 =	simm.s32 $0x10200;
	s12 =	simm.s32 $0x1000;
	s13 =	simm.s32 $0x20000;
	v1 =	vsel vm9, $0x1000, v1;
	v2 =	vsel vm9, $0x3000, v2  }
0xc: {  	vm12 =	vcmask $0x2F2C;
	s14 =	simm.s32 $0x0;
	s6 =	sand.u32 $0x1, s3;
	s3 =	simm.s32 $0x0;
	v1 =	vsel vm10, $0x1080, v1;
	v2 =	vsel vm10, $0x3080, v2  }
0xd: {  	vm13 =	vcmask $0x3330;
	s7 =	sshll.u32 s2, $0xA;
	s8 =	sshll.u32 s6, $0x9;
	[smem:$0x7FF] =	sst s3;
	v1 =	vsel vm11, $0x1100, v1;
	v2 =	vsel vm11, $0x3100, v2  }
0xe: {  	vm14 =	vcmask $0x3734;
	s6 =	ssub.s32 $0x2, s6;
	s7 =	sor.u32 s8, s7;
	_ =	strace $0x80000047;
	v1 =	vsel vm12, $0x1180, v1;
	v2 =	vsel vm12, $0x3180, v2  }
0xf: {  	v0 =	vmul.u32 $0x80, v0;
	s31 =	sshrl.u32 s6, $0x1;
	s8 =	simm.s32 $0x7A1400;
	s9 =	sshrl.u32 s7, $0x3;
	v1 =	vsel vm13, $0x1200, v1;
	v2 =	vsel vm13, $0x3200, v2  }
0x10: {  	vm15 =	vcmask $0x3B38;
	s6 =	ssub.s32 s6, s31;
	s5 =	sadd.s32 s5, s7;
	s7 =	simm.s32 $0x3;
	v1 =	vsel vm14, $0x1280, v1;
	v3 =	vsel vm14, $0x3280, v2  }
0x11: {  	s4 =	sadd.s32 s4, s9;
	s6 =	smax.u32 s6, $0x1;
	s9 =	simm.s32 $0x400;
	v2 =	vor.u32 $0x800, v0;
	v1 =	vsel vm15, $0x1300, v1;
	v3 =	vsel vm15, $0x3300, v3  }
.LBB2_1:
0x12: {  	p2 =	por $0x0, $0x0  }
.Ltmp0:
0x13: {  	_ = 	snop;
	(pc) =	sbr.rel @p2 .LBB2_2-.Ltmp0, $4  }
0x14: {  	[tilespmem:s3], [sflag:$0x3] =	stream.linear.gather [hbm4b:s4+s3], $0x200, $0x38;
	[tilespmem:$0x14200] =	vst v63  }
0x15: {  	_ =	swait.ge [sflag:s7], $0x200  }
0x16: {  	s16 =	simm.s32 $0x1;
	[sflag:s7] =	ssyncset.done $0x0  }
0x17: {  	v4 =	vmov s3;
	p0 =	por $0x0, $0x0;
	p1 =	por $0x0, $0x0;
	[sflag:s7] =	ssyncadd.s32 $0xFFFFFE00  }
0x18: {  	_ =	sdelay $0x2  }
0x19: {  	s15 =	simm.s32 $0x0  }
0x1a: {  	p2 =	por $0x0, $0x0;
	v4 =	vld.idx.msk [tilespmem:v4+s15+$0x0], $0xffff  }
.Ltmp1:
0x1b: {  	_ = 	snop;
	(pc) =	sbr.rel @p2 .LBB2_4-.Ltmp1, $2  }
0x1c: {  	_ =	sdelay $0x2  }
0x1d: {  	p0 =	por $0x1, $0x1;
	(v2sf) =	vpush v4, $0x0;
	v4 =	vmov s16;
	s16 =	simm.s32 $0x2  }
0x1e: {  	_ =	sdelay $0xd  }
0x1f: {  	s17 =	spop (v2sf)  }
0x20: {  	s17 =	sand.u32 $0xFFFFF80, s17  }
0x21: {  	s17 =	sadd.s32 s0, s17  }
0x22: {  	[tilespmem:s10], [sflag:$0x1] =	stream.strided.gather [hbm4b:s17+s9], $0x1000, s8, s9, $0x38;
	[tilespmem:$0x14200] =	vst v63  }
0x23: {  	v4 =	vld.idx.msk [tilespmem:v4+s15+$0x0], $0xffff;
	_ =	sdelay $0x4  }
0x24: {  	(v2sf) =	vpush v4, $0x0;
	_ =	sdelay $0x8  }
0x25: {  	p2 =	por $0x0, $0x0  }
.Ltmp2:
0x26: {  	_ = 	snop;
	(pc) =	sbr.rel @p2 .LBB2_6-.Ltmp2, $2  }
0x27: {  	_ =	sdelay $0x2  }
0x28: {  	p1 =	por $0x1, $0x1;
	s15 =	simm.s32 $0x200;
	v4 =	vmov s16;
	s16 =	simm.s32 $0x3  }
.LBB2_7:
0x29: {  	p2 =	seq.s32 s16, $0x7;
	s17 =	spop (v2sf)  }
0x2a: {  	s17 =	sand.u32 $0xFFFFF80, s17  }
0x2b: {  	s18 =	simm.s32 $0x0;
	s15 =	sadd.s32 $0x1000, s15;
	s17 =	sadd.s32 s0, s17  }
0x2c: {  	[tilespmem:s15], [sflag:$0x1] =	stream.strided.gather [hbm4b:s17+s9], $0x1000, s8, s9, $0x38;
	[tilespmem:$0x14200] =	vst v63  }
0x2d: {  	v4 =	vld.idx.msk [tilespmem:v4+s18+$0x0], $0xffff;
	_ =	sdelay $0x5  }
0x2e: {  	(v2sf) =	vpush v4, $0x0;
	_ =	sdelay $0x9  }
.Ltmp3:
0x2f: {  	(pc) =	sbr.rel @!p2 .LBB2_7-.Ltmp3, $2  }
0x30: {  	_ =	sdelay $0x2  }
0x31: {  	v4 =	vmov s16;
	s16 =	sadd.s32 $0x1, s16  }
.LBB2_8:
0x32: {  	s16 =	spop @p0 (v2sf)  }
0x33: {  	s15 =	sadd.s32 @p1 $0x1000, s15;
	s17 =	simm.s32 $0x200;
	s16 =	sand.u32 @p0 $0xFFFFF80, s16  }
0x34: {  	s18 =	simm.s32 $0x0;
	s17 =	smov.u32 @p1 s15;
	s16 =	sadd.s32 @p0 s0, s16  }
0x35: {  	[tilespmem:s17], [sflag:$0x1] =	stream.strided.gather @p0 [hbm4b:s16+s9], $0x1000, s8, s9, $0x38;
	[tilespmem:$0x14200] =	vst v63  }
0x36: {  	v4 =	vld.idx.msk [tilespmem:v4+s18+$0x0], $0xffff;
	_ =	sdelay $0x4  }
0x37: {  	(v2sf) =	vpush v4, $0x0;
	_ =	sdelay $0xe  }
0x38: {  	s31 =	spop (v2sf)  }
0x39: {  	s16 =	sadd.s32 @p0 $0x1000, s17;
	s17 =	simm.s32 $0x200;
	s15 =	sand.u32 $0xFFFFF80, s31  }
0x3a: {  	s17 =	smov.u32 @p0 s16;
	s15 =	sadd.s32 s0, s15  }
0x3b: {  	[tilespmem:s17], [sflag:$0x1] =	stream.strided.gather [hbm4b:s15+s9], $0x1000, s8, s9, $0x38;
	[tilespmem:$0x14200] =	vst v63  }
0x3c: {  	p0 =	por $0x1, $0x1;
	s16 =	simm.s32 $0x0;
	s15 =	simm.s32 $0x8  }
.LBB2_10:
0x3d: {  	p1 =	seq.s32 s18, $0x3F  }
.Ltmp4:
0x3e: {  	_ = 	snop;
	(pc) =	sbr.rel @p1 .LBB2_14-.Ltmp4, $2  }
0x3f: {  	_ =	sdelay $0x2  }
0x40: {  	s17 =	sadd.s32 $0x1, s18  }
0x41: {  	s19 =	sadd.s32 $0x0, s15  }
0x42: {  	v4 =	vmov s19;
	_ =	sdelay $0x4  }
0x43: {  	v4 =	vld.idx.msk [tilespmem:v4+s3+$0x0], $0xffff;
	_ =	sdelay $0x4  }
0x44: {  	(v2sf) =	vpush v4, $0x0;
	_ =	sdelay $0xc  }
0x45: {  	s29 =	sadd.s32 $0x1, s15  }
0x46: {  	s20 =	simm.s32 $0x1;
	v4 =	vmov s29  }
0x47: {  	s20 =	simm.s32 @!p0 $0x0;
	s30 =	spop (v2sf)  }
0x48: {  	s21 =	sand.u32 $0x1, s17;
	s20 =	sshll.u32 s20, $0xF;
	s22 =	sand.u32 $0xFFFFF80, s30  }
0x49: {  	s19 =	sadd.s32 $0x1, s21;
	s20 =	sor.u32 $0x200, s20;
	s31 =	sadd.s32 s0, s22  }
0x4a: {  	[tilespmem:s20], [sflag:s19] =	stream.strided.gather [hbm4b:s31+s9], $0x1000, s8, s9, $0x38;
	[tilespmem:$0x14200] =	vst v63  }
0x4b: {  	v4 =	vld.idx.msk [tilespmem:v4+s3+$0x0], $0xffff;
	_ =	sdelay $0x4  }
0x4c: {  	(v2sf) =	vpush v4, $0x0;
	_ =	sdelay $0xc  }
0x4d: {  	s21 =	simm.s32 $0x3;
	s22 =	sadd.s32 $0x2, s15  }
.LBB2_12:
0x4e: {  	p1 =	sne.s32 s21, $0x7;
	v4 =	vmov s22  }
0x4f: {  	s22 =	spop (v2sf)  }
0x50: {  	s22 =	sand.u32 $0xFFFFF80, s22  }
0x51: {  	s20 =	sadd.s32 $0x1000, s20;
	s22 =	sadd.s32 s0, s22  }
0x52: {  	[tilespmem:s20], [sflag:s19] =	stream.strided.gather [hbm4b:s22+s9], $0x1000, s8, s9, $0x38;
	[tilespmem:$0x14200] =	vst v63  }
0x53: {  	v4 =	vld.idx.msk [tilespmem:v4+s3+$0x0], $0xffff;
	_ =	sdelay $0x5  }
0x54: {  	(v2sf) =	vpush v4, $0x0;
	_ =	sdelay $0x8  }
.Ltmp5:
0x55: {  	(pc) =	sbr.rel @p1 .LBB2_12-.Ltmp5, $2  }
0x56: {  	_ =	sdelay $0x2  }
0x57: {  	s22 =	sadd.s32 s21, s15;
	s21 =	sadd.s32 $0x1, s21  }
0x58: {  	v4 =	vmov s22  }
0x59: {  	s21 =	spop (v2sf)  }
0x5a: {  	s21 =	sand.u32 $0xFFFFF80, s21  }
0x5b: {  	s20 =	sadd.s32 $0x1000, s20;
	s21 =	sadd.s32 s0, s21  }
0x5c: {  	[tilespmem:s20], [sflag:s19] =	stream.strided.gather [hbm4b:s21+s9], $0x1000, s8, s9, $0x38;
	[tilespmem:$0x14200] =	vst v63  }
0x5d: {  	v4 =	vld.idx.msk [tilespmem:v4+s3+$0x0], $0xffff;
	_ =	sdelay $0x4  }
0x5e: {  	(v2sf) =	vpush v4, $0x0;
	_ =	sdelay $0xe  }
0x5f: {  	s31 =	spop (v2sf)  }
0x60: {  	s21 =	sand.u32 $0xFFFFF80, s31  }
0x61: {  	s20 =	sadd.s32 $0x1000, s20;
	s21 =	sadd.s32 s0, s21  }
0x62: {  	[tilespmem:s20], [sflag:s19] =	stream.strided.gather [hbm4b:s21+s9], $0x1000, s8, s9, $0x38;
	[tilespmem:$0x14200] =	vst v63  }
.LBB2_14:
0x63: {  	s19 =	sadd.s32 $0x0, s16  }
0x64: {  	s18 =	sand.u32 $0x1, s18;
	v4 =	vmov s19  }
0x65: {  	s30 =	sadd.s32 $0x1, s18  }
0x66: {  	_ =	swait.ge [sflag:s30], $0x8000  }
0x67: {  	[sflag:s30] =	ssyncset.done $0x0  }
0x68: {  	[sflag:s30] =	ssyncadd.s32 $0xFFFF8000  }
0x69: {  	v5 =	vld.idx.msk [tilespmem:v4+s3+$0x0], $0xffff;
	_ =	sdelay $0x3  }
0x6a: {  	s18 =	sshll.u32 s18, $0xF  }
0x6b: {  	s31 =	sadd.s32 $0x0, s18;
	v5 =	vand.u32 $0x7F, v5  }
0x6c: {  	v5 =	vor.u32 s31, v5  }
0x6d: {  	v6 =	vor.u32 v0, v5;
	_ =	sdelay $0x1  }
0x6e: {  	v7 =	vshll.u32 v4, $0x3  }
0x6f: {  	v7 =	vand.u32 $0xC00, v7;
	v4 =	vand.u32 $0x7F, v4  }
0x70: {  	v7 =	vor.u32 v4, v7  }
0x71: {  	v4 =	vld.idx.msk [tilespmem:v6+s10+$0x0], $0xffff;
	v6 =	vor.u32 v1, v7  }
0x72: {  	v5 =	vor.u32 v2, v5;
	_ =	sdelay $0x3  }
0x73: {  	[tilespmem:v6+s11+$0x0] =	vst.idx.msk $0xffff, v4  }
0x74: {  	s21 =	sadd.s32 $0x1, s16;
	s20 =	simm.s32 $0x2;
	s19 =	simm.s32 $0x1;
	v4 =	vld.idx.msk [tilespmem:v5+s10+$0x0], $0xffff;
	v5 =	vor.u32 v3, v7  }
.LBB2_15:
0x75: {  	p1 =	seq.s32 s20, $0x7;
	v6 =	vmov s21;
	_ =	sdelay $0x3  }
0x76: {  	[tilespmem:v5+s11+$0x0] =	vst.idx.msk $0xffff, v4  }
0x77: {  	v4 =	vld.idx.msk [tilespmem:v6+s3+$0x0], $0xffff;
	_ =	sdelay $0x4  }
0x78: {  	s21 =	sshll.u32 s19, $0xC;
	s19 =	smov.u32 s20  }
0x79: {  	s21 =	sadd.s32 s18, s21;
	v4 =	vand.u32 $0x7F, v4  }
0x7a: {  	v4 =	vor.u32 s21, v4  }
0x7b: {  	v5 =	vor.u32 v0, v4;
	_ =	sdelay $0x2  }
0x7c: {  	v7 =	vshll.u32 v6, $0x3  }
0x7d: {  	v7 =	vand.u32 $0xC00, v7;
	v6 =	vand.u32 $0x7F, v6  }
0x7e: {  	v6 =	vor.u32 v6, v7;
	v5 =	vld.idx.msk [tilespmem:v5+s10+$0x0], $0xffff  }
0x7f: {  	v7 =	vor.u32 v1, v6  }
0x80: {  	v4 =	vor.u32 v2, v4;
	_ =	sdelay $0x1  }
.Ltmp6:
0x81: {  	(pc) =	sbr.rel @!p1 .LBB2_15-.Ltmp6, $4  }
0x82: {  	_ = 	snop  }
0x83: {  	[tilespmem:v7+s11+$0x0] =	vst.idx.msk $0xffff, v5  }
0x84: {  	v4 =	vld.idx.msk [tilespmem:v4+s10+$0x0], $0xffff  }
0x85: {  	s20 =	sadd.s32 $0x1, s20;
	s21 =	sadd.s32 s19, s16;
	v5 =	vor.u32 v3, v6  }
0x86: {  	v6 =	vmov s21;
	_ =	sdelay $0x3  }
0x87: {  	[tilespmem:v5+s11+$0x0] =	vst.idx.msk $0xffff, v4  }
0x88: {  	v4 =	vld.idx.msk [tilespmem:v6+s3+$0x0], $0xffff;
	_ =	sdelay $0x3  }
0x89: {  	s19 =	sshll.u32 s19, $0xC  }
0x8a: {  	s18 =	sadd.s32 s18, s19;
	v4 =	vand.u32 $0x7F, v4  }
0x8b: {  	v4 =	vor.u32 s18, v4  }
0x8c: {  	v5 =	vor.u32 v0, v4;
	_ =	sdelay $0x1  }
0x8d: {  	v7 =	vshll.u32 v6, $0x3  }
0x8e: {  	v7 =	vand.u32 $0xC00, v7;
	v6 =	vand.u32 $0x7F, v6  }
0x8f: {  	v6 =	vor.u32 v6, v7  }
0x90: {  	v7 =	vor.u32 v1, v6;
	v5 =	vld.idx.msk [tilespmem:v5+s10+$0x0], $0xffff  }
0x91: {  	v4 =	vor.u32 v2, v4;
	_ =	sdelay $0x3  }
0x92: {  	[tilespmem:v7+s11+$0x0] =	vst.idx.msk $0xffff, v5  }
0x93: {  	v5 =	vor.u32 v3, v6;
	v4 =	vld.idx.msk [tilespmem:v4+s10+$0x0], $0xffff;
	_ =	sdelay $0x4  }
0x94: {  	[tilespmem:v5+s11+$0x0] =	vst.idx.msk $0xffff, v4  }
0x95: {  	p1 =	seq.s32 s17, $0x40  }
.Ltmp7:
0x96: {  	_ = 	snop;
	(pc) =	sbr.rel @!p1 .LBB2_10-.Ltmp7, $3  }
0x97: {  	_ =	sdelay $0x1  }
0x98: {  	p0 =	por !p0, !p0  }
0x99: {  	s15 =	sadd.s32 $0x8, s15;
	s16 =	sadd.s32 $0x8, s16;
	s18 =	smov.u32 s17  }
0x9a: {  	[hbm4b:s5+s12] =	stream.strided.scatter [tilespmem:s11], [sflag:$0x3], $0x4000, s13, s12, $0x38;
	[tilespmem:$0x14200] =	vst v63  }
0x9b: {  	s14 =	sadd.s32 $0x1, s14  }
0x9c: {  	p0 =	sne.s32 s14, s6  }
.Ltmp8:
0x9d: {  	_ = 	snop;
	(pc) =	sbr.rel @p0 .LBB2_1-.Ltmp8, $4  }
.Ltmp9:
0x9e: {  	_ = 	snop;
	(pc) =	sbr.rel @!p0 .LBB2_18-.Ltmp9, $4  }
0x9f: {  	_ =	swait.ge [sflag:s7], $0x4000  }
0xa0: {  	[sflag:s7] =	ssyncset.done $0x0  }
0xa1: {  	[sflag:s7] =	ssyncadd.s32 $0xFFFFC000  }
0xa2: {  	_ = 	snop  }
.LBB2_2:
.Ltmp10:
0xa3: {  	(pc) =	sbr.rel .LBB2_8-.Ltmp10, $2  }
0xa4: {  	_ =	sdelay $0x2  }
0xa5: {  	s15 =	simm.s32 $0x200  }
.LBB2_4:
.Ltmp11:
0xa6: {  	(pc) =	sbr.rel .LBB2_8-.Ltmp11, $2  }
0xa7: {  	_ =	sdelay $0x2  }
0xa8: {  	s15 =	simm.s32 $0x200  }
.LBB2_6:
.Ltmp12:
0xa9: {  	(pc) =	sbr.rel .LBB2_8-.Ltmp12, $2  }
0xaa: {  	_ =	sdelay $0x2  }
0xab: {  	s15 =	simm.s32 $0x200  }
.LBB2_18:
0xac: {  	_ =	sfence.sel $0x180000  }
0xad: {  	[bflag:$0x0] =	sbarrier.arrive $0xFFFF  }
0xae: {  	p0 =	sne.s32 s2, $0x0;
	_ =	strace $0x90000047  }
0xaf: {  	s0 =	sadd.s32 @!p0 $0x100000, s1;
	[bflag:$0x2] =	sbarrier.arrive $0xFFFF  }
0xb0: {  	[sflag:s0] =	ssyncadd.tile.s32 @!p0 $0x1;
	_ =	shalt  }
.Lfunc_end2:
_tile_overlayer_lowered:
.L_overlay_start_2:
0xb1: {  	(tag) =	ssettag $0x2  }
0xb2: {  	s0 =	rddreg [dreg:$0x0];
	s2 =	stileid.u32  }
0xb3: {  	s1 =	rddreg [dreg:$0x1];
	p0 =	sne.s32 s2, $0x0  }
0xb4: {  	s3 =	rddreg [dreg:$0x2];
	[bflag:$0x3] =	sbarrier.arrive $0xFFFF;
	s2 =	simm.s32 @!p0 $0x1C03  }
0xb5: {  	[timem:s3], [sflag:s2] =	dma.local @!p0 [hbm:s0], s1  }
0xb6: {  	s0 =	simm.s32 @!p0 $0x3  }
0xb7: {  	_ =	swait.ge @!p0 [sflag:s0], s1  }
0xb8: {  	s1 =	ssub.s32 @!p0 $0x0, s1;
	[sflag:s0] =	ssyncset.done @!p0 $0x0  }
0xb9: {  	[sflag:s0] =	ssyncadd.s32 @!p0 s1  }
0xba: {  	[bflag:$0x3] =	sbarrier.arrive $0xFFFF  }
0xbb: {  	_ =	shalt  }

</sc_bundles>
